<compile_context>
chip_gen: v7x
topology: tpu7x:2x2x1
jax: 0.10.2.dev20260603
libtpu: 0.0.44.dev20260713+nightly
codegen_flags: <defaults>
</compile_context>

<pallas_src>
import functools

import jax
import jax.numpy as jnp
from jax.experimental import pallas as pl
from jax.experimental.pallas import tpu as pltpu

_LANES = 128
_RBLK = 4096


def _dense_body(meta_ref, vf_ref, out_ref, carry_ref, *, K, rblk, lanes):
    g = pl.program_id(0)
    nelem = rblk * lanes
    base = g * nelem
    last = base + nelem - 1
    cur = vf_ref[...]

    idx = [meta_ref[d] for d in range(K)]
    vals = [jax.lax.bitcast_convert_type(meta_ref[K + d], jnp.float32)
            for d in range(K)]

    c0 = jnp.int32(0)
    contains = jnp.bool_(False)
    for d in range(K):
        c0 = c0 + (idx[d] < base).astype(jnp.int32)
        contains = jnp.logical_or(
            contains, jnp.logical_and(idx[d] >= base, idx[d] <= last))
    uniform = jnp.logical_not(contains)

    def shifted(d):
        up = jnp.concatenate([carry_ref[...], cur[:-1, :]], axis=0)
        rc = pltpu.roll(cur, d, axis=1)
        ru = pltpu.roll(up, d, axis=1)
        lane = jax.lax.broadcasted_iota(jnp.int32, (rblk, lanes), 1)
        return jnp.where(lane < d, ru, rc)

    @pl.when(jnp.logical_and(uniform, c0 == 0))
    def _():
        out_ref[...] = cur

    for dshift in range(1, K + 1):
        @pl.when(jnp.logical_and(uniform, c0 == dshift))
        def _(dshift=dshift):
            out_ref[...] = shifted(dshift)

    @pl.when(contains)
    def _():
        row = jax.lax.broadcasted_iota(jnp.int32, (rblk, lanes), 0)
        lane = jax.lax.broadcasted_iota(jnp.int32, (rblk, lanes), 1)
        i = base + row * lanes + lane
        c = jnp.zeros((rblk, lanes), jnp.int32)
        for d in range(K):
            c = c + (idx[d] < i).astype(jnp.int32)
        out = cur
        for dshift in range(1, K + 1):
            out = jnp.where(c == dshift, shifted(dshift), out)
        for d in range(K):
            out = jnp.where(i == idx[d], vals[d], out)
        out_ref[...] = out

    carry_ref[...] = cur[rblk - 1:rblk, :]


def _assemble(meta, vfp2d, *, K, rows, lanes):
    grid = pl.cdiv(rows, _RBLK)
    return pl.pallas_call(
        functools.partial(_dense_body, K=K, rblk=_RBLK, lanes=lanes),
        grid=(grid,),
        in_specs=[
            pl.BlockSpec(memory_space=pltpu.SMEM),
            pl.BlockSpec((_RBLK, lanes), lambda g: (g, 0)),
        ],
        out_specs=pl.BlockSpec((_RBLK, lanes), lambda g: (g, 0)),
        out_shape=jax.ShapeDtypeStruct((rows, lanes), jnp.float32),
        scratch_shapes=[pltpu.VMEM((1, lanes), jnp.float32)],
        compiler_params=pltpu.CompilerParams(
            dimension_semantics=("arbitrary",)),
    )(meta, vfp2d)


def kernel(values_free, values_imposed, idx_free, idx_imposed):
    del idx_free
    vf = values_free.astype(jnp.float32)
    vi = values_imposed.reshape(-1).astype(jnp.float32)
    idx = idx_imposed.reshape(-1).astype(jnp.int32)
    K = int(idx.shape[0])
    n = int(vf.shape[0]) + K

    rows = pl.cdiv(n, _LANES)
    total = rows * _LANES
    pad = total - int(vf.shape[0])
    vfp2d = jnp.concatenate(
        [vf, jnp.zeros((pad, 1), jnp.float32)], axis=0).reshape(rows, _LANES)

    if K == 2:
        swap = idx[0] > idx[1]
        idx_s = jnp.where(swap, idx[::-1], idx)
        vi_s = jnp.where(swap, vi[::-1], vi)
    else:
        order = jnp.argsort(idx)
        idx_s = idx[order]
        vi_s = vi[order]
    meta = jnp.concatenate(
        [idx_s, jax.lax.bitcast_convert_type(vi_s, jnp.int32)])

    out = _assemble(meta, vfp2d, K=K, rows=rows, lanes=_LANES)
    return out.reshape(-1)[:n].reshape(n, 1)

# --- scband reference (transcript-rebuilt; emitter-appended) ---
"""Pipeline reference for scband-scalar-field1-d-3255585210382 (READ-ONLY COPY).

The authoritative reference and input builder live on the scoring server;
editing this copy changes nothing except your own understanding.
"""

import jax, jax.numpy as jnp
import numpy as np

N = 10_000_000
DIRICHLET = np.array([N - 2, N - 1], dtype=np.int32)


def setup_inputs() -> dict:
    dofs_free = np.ones(N, dtype=bool)
    dofs_free[DIRICHLET] = False
    idx_free = jnp.asarray(np.nonzero(dofs_free)[0].astype(np.int32))
    idx_imposed = jnp.asarray(DIRICHLET)
    # Module init: values = 0.5 * ones(n_nodes, 1); values_free = values[dofs_free]
    values_free = 0.5 * jnp.ones((int(idx_free.shape[0]), 1), dtype=jnp.float32)
    # Buffer: values_imposed = zeros((~dofs_free).sum(), 1)
    values_imposed = jnp.zeros((int(idx_imposed.shape[0]), 1), dtype=jnp.float32)
    return {
        "values_free": values_free,
        "values_imposed": values_imposed,
        "idx_free": idx_free,
        "idx_imposed": idx_imposed,
    }


def reference(values_free, values_imposed, idx_free, idx_imposed):
    # full = zeros(n_nodes, 1); full[dofs_free] = values_free; full[~dofs_free] = values_imposed
    full = jnp.zeros((N, 1), dtype=values_free.dtype)
    full = full.at[idx_free].set(values_free)
    full = full.at[idx_imposed].set(values_imposed)
    return full

if __name__ == "__main__":
    import jax
    _d = setup_inputs()
    print(jax.jit(kernel)(*tuple(_d.values())))

</pallas_src>

<mosaic_0001>
module attributes {stable_mosaic.version = 14 : i64} {
  func.func @_dense_body(%arg0: i32, %arg1: memref<4xi32, #tpu.memory_space<smem>>, %arg2: memref<4096x128xf32, #tpu.memory_space<vmem>>, %arg3: memref<4096x128xf32, #tpu.memory_space<vmem>>, %arg4: memref<1x128xf32, #tpu.memory_space<vmem>>) attributes {dimension_semantics = [#tpu.dimension_semantics<arbitrary>], iteration_bounds = array<i64: 20>, scalar_prefetch = 0 : i64, scratch_operands = 1 : i64, tpu.core_type = #tpu.core_type<tc>, window_params = [{transform_indices = @transform_0, window_bounds = array<i64: 4>}, {transform_indices = @transform_1, window_bounds = array<i64: 4096, 128>}, {transform_indices = @transform_2, window_bounds = array<i64: 4096, 128>}]} {
    %mul3A = arith.constant 524288 : i32
    %mul3A_0 = arith.muli %arg0, %mul3A : i32
    %add3A = arith.constant 524288 : i32
    %add3A_1 = arith.addi %mul3A_0, %add3A : i32
    %sub3A = arith.constant 1 : i32
    %sub3A_2 = arith.subi %add3A_1, %sub3A : i32
    %get3A = arith.constant 0 : index
    %get3A_3 = arith.constant 0 : index
    %get3A_4 = vector.load %arg2[%get3A, %get3A_3] : memref<4096x128xf32, #tpu.memory_space<vmem>>, vector<4096x128xf32>
    %get3A_5 = arith.constant 0 : index
    %get3A_6 = memref.load %arg1[%get3A_5] : memref<4xi32, #tpu.memory_space<smem>>
    %get3A_7 = arith.constant 1 : index
    %get3A_8 = memref.load %arg1[%get3A_7] : memref<4xi32, #tpu.memory_space<smem>>
    %get3A_9 = arith.constant 2 : index
    %get3A_10 = memref.load %arg1[%get3A_9] : memref<4xi32, #tpu.memory_space<smem>>
    %bitcast_convert_type3A = arith.bitcast %get3A_10 : i32 to f32
    %get3A_11 = arith.constant 3 : index
    %get3A_12 = memref.load %arg1[%get3A_11] : memref<4xi32, #tpu.memory_space<smem>>
    %bitcast_convert_type3A_13 = arith.bitcast %get3A_12 : i32 to f32
    %lt3A = arith.cmpi slt, %get3A_6, %mul3A_0 : i32
    %convert_element_type3A = arith.extui %lt3A : i1 to i32
    %add3A_14 = arith.constant 0 : i32
    %add3A_15 = arith.addi %add3A_14, %convert_element_type3A : i32
    %ge3A = arith.cmpi sge, %get3A_6, %mul3A_0 : i32
    %le3A = arith.cmpi sle, %get3A_6, %sub3A_2 : i32
    %and3A = arith.andi %ge3A, %le3A : i1
    %or3A = arith.constant false
    %or3A_16 = arith.ori %or3A, %and3A : i1
    %lt3A_17 = arith.cmpi slt, %get3A_8, %mul3A_0 : i32
    %convert_element_type3A_18 = arith.extui %lt3A_17 : i1 to i32
    %add3A_19 = arith.addi %add3A_15, %convert_element_type3A_18 : i32
    %ge3A_20 = arith.cmpi sge, %get3A_8, %mul3A_0 : i32
    %le3A_21 = arith.cmpi sle, %get3A_8, %sub3A_2 : i32
    %and3A_22 = arith.andi %ge3A_20, %le3A_21 : i1
    %or3A_23 = arith.ori %or3A_16, %and3A_22 : i1
    %not3A = arith.constant true
    %not3A_24 = arith.xori %or3A_23, %not3A : i1
    %eq3A = arith.constant 0 : i32
    %eq3A_25 = arith.cmpi eq, %add3A_19, %eq3A : i32
    %and3A_26 = arith.andi %not3A_24, %eq3A_25 : i1
    %convert_element_type3A_27 = arith.extui %and3A_26 : i1 to i32
    %cond3A = arith.constant 0 : i32
    %cond3A_28 = arith.cmpi ne, %convert_element_type3A_27, %cond3A : i32
    scf.if %cond3A_28 {
      %swap3A_46 = arith.constant 0 : index
      %swap3A_47 = arith.constant 0 : index
      %swap3A_48 = vector.load %arg3[%swap3A_46, %swap3A_47] : memref<4096x128xf32, #tpu.memory_space<vmem>>, vector<4096x128xf32>
      tpu.vector_store %arg3[%swap3A_46, %swap3A_47], %get3A_4 {strides = array<i32>} : memref<4096x128xf32, #tpu.memory_space<vmem>>, vector<4096x128xf32>,
    } else {
    }
    %eq3A_29 = arith.constant 1 : i32
    %eq3A_30 = arith.cmpi eq, %add3A_19, %eq3A_29 : i32
    %and3A_31 = arith.andi %not3A_24, %eq3A_30 : i1
    %convert_element_type3A_32 = arith.extui %and3A_31 : i1 to i32
    %cond3A_33 = arith.constant 0 : i32
    %cond3A_34 = arith.cmpi ne, %convert_element_type3A_32, %cond3A_33 : i32
    scf.if %cond3A_34 {
      %get3A_46 = arith.constant 0 : index
      %get3A_47 = arith.constant 0 : index
      %get3A_48 = vector.load %arg4[%get3A_46, %get3A_47] : memref<1x128xf32, #tpu.memory_space<vmem>>, vector<1x128xf32>
      %slice3A_49 = vector.extract_strided_slice %get3A_4 {offsets = [0, 0], sizes = [4095, 128], strides = [1, 1]} : vector<4096x128xf32> to vector<4095x128xf32>
      %concatenate3A = tpu.concatenate %get3A_48, %slice3A_49 in 0 : vector<1x128xf32>, vector<4095x128xf32> -> vector<4096x128xf32>
      %roll3A = arith.constant 1 : i32
      %roll3A_50 = tpu.dynamic_rotate %get3A_4 by %roll3A dim 1 : vector<4096x128xf32>, i32 -> vector<4096x128xf32>
      %roll3A_51 = arith.constant 1 : i32
      %roll3A_52 = tpu.dynamic_rotate %concatenate3A by %roll3A_51 dim 1 : vector<4096x128xf32>, i32 -> vector<4096x128xf32>
      %iota3A = tpu.iota {dimensions = array<i32: 1>} : vector<4096x128xi32>
      %lt3A_53 = arith.constant 1 : i32
      %lt3A_54 = vector.broadcast %lt3A_53 : i32 to vector<4096x128xi32>
      %lt3A_55 = arith.cmpi slt, %iota3A, %lt3A_54 : vector<4096x128xi32>
      %select_n3A = arith.select %lt3A_55, %roll3A_52, %roll3A_50 : vector<4096x128xi1>, vector<4096x128xf32>
      %swap3A_56 = arith.constant 0 : index
      %swap3A_57 = arith.constant 0 : index
      %swap3A_58 = vector.load %arg3[%swap3A_56, %swap3A_57] : memref<4096x128xf32, #tpu.memory_space<vmem>>, vector<4096x128xf32>
      tpu.vector_store %arg3[%swap3A_56, %swap3A_57], %select_n3A {strides = array<i32>} : memref<4096x128xf32, #tpu.memory_space<vmem>>, vector<4096x128xf32>,
    } else {
    }
    %eq3A_35 = arith.constant 2 : i32
    %eq3A_36 = arith.cmpi eq, %add3A_19, %eq3A_35 : i32
    %and3A_37 = arith.andi %not3A_24, %eq3A_36 : i1
    %convert_element_type3A_38 = arith.extui %and3A_37 : i1 to i32
    %cond3A_39 = arith.constant 0 : i32
    %cond3A_40 = arith.cmpi ne, %convert_element_type3A_38, %cond3A_39 : i32
    scf.if %cond3A_40 {
      %get3A_46 = arith.constant 0 : index
      %get3A_47 = arith.constant 0 : index
      %get3A_48 = vector.load %arg4[%get3A_46, %get3A_47] : memref<1x128xf32, #tpu.memory_space<vmem>>, vector<1x128xf32>
      %slice3A_49 = vector.extract_strided_slice %get3A_4 {offsets = [0, 0], sizes = [4095, 128], strides = [1, 1]} : vector<4096x128xf32> to vector<4095x128xf32>
      %concatenate3A = tpu.concatenate %get3A_48, %slice3A_49 in 0 : vector<1x128xf32>, vector<4095x128xf32> -> vector<4096x128xf32>
      %roll3A = arith.constant 2 : i32
      %roll3A_50 = tpu.dynamic_rotate %get3A_4 by %roll3A dim 1 : vector<4096x128xf32>, i32 -> vector<4096x128xf32>
      %roll3A_51 = arith.constant 2 : i32
      %roll3A_52 = tpu.dynamic_rotate %concatenate3A by %roll3A_51 dim 1 : vector<4096x128xf32>, i32 -> vector<4096x128xf32>
      %iota3A = tpu.iota {dimensions = array<i32: 1>} : vector<4096x128xi32>
      %lt3A_53 = arith.constant 2 : i32
      %lt3A_54 = vector.broadcast %lt3A_53 : i32 to vector<4096x128xi32>
      %lt3A_55 = arith.cmpi slt, %iota3A, %lt3A_54 : vector<4096x128xi32>
      %select_n3A = arith.select %lt3A_55, %roll3A_52, %roll3A_50 : vector<4096x128xi1>, vector<4096x128xf32>
      %swap3A_56 = arith.constant 0 : index
      %swap3A_57 = arith.constant 0 : index
      %swap3A_58 = vector.load %arg3[%swap3A_56, %swap3A_57] : memref<4096x128xf32, #tpu.memory_space<vmem>>, vector<4096x128xf32>
      tpu.vector_store %arg3[%swap3A_56, %swap3A_57], %select_n3A {strides = array<i32>} : memref<4096x128xf32, #tpu.memory_space<vmem>>, vector<4096x128xf32>,
    } else {
    }
    %convert_element_type3A_41 = arith.extui %or3A_23 : i1 to i32
    %cond3A_42 = arith.constant 0 : i32
    %cond3A_43 = arith.cmpi ne, %convert_element_type3A_41, %cond3A_42 : i32
    scf.if %cond3A_43 {
      %iota3A = tpu.iota {dimensions = array<i32: 0>} : vector<4096x128xi32>
      %iota3A_46 = tpu.iota {dimensions = array<i32: 1>} : vector<4096x128xi32>
      %mul3A_47 = arith.constant 128 : i32
      %mul3A_48 = vector.broadcast %mul3A_47 : i32 to vector<4096x128xi32>
      %mul3A_49 = arith.muli %iota3A, %mul3A_48 : vector<4096x128xi32>
      %add3A_50 = vector.broadcast %mul3A_0 : i32 to vector<4096x128xi32>
      %add3A_51 = arith.addi %add3A_50, %mul3A_49 : vector<4096x128xi32>
      %add3A_52 = arith.addi %add3A_51, %iota3A_46 : vector<4096x128xi32>
      %broadcast_in_dim3A = arith.constant 0 : i32
      %broadcast_in_dim3A_53 = vector.broadcast %broadcast_in_dim3A : i32 to vector<4096x128xi32>
      %lt3A_54 = vector.broadcast %get3A_6 : i32 to vector<4096x128xi32>
      %lt3A_55 = arith.cmpi slt, %lt3A_54, %add3A_52 : vector<4096x128xi32>
      %convert_element_type3A_56 = arith.extui %lt3A_55 : vector<4096x128xi1> to vector<4096x128xi32>
      %add3A_57 = arith.addi %broadcast_in_dim3A_53, %convert_element_type3A_56 : vector<4096x128xi32>
      %lt3A_58 = vector.broadcast %get3A_8 : i32 to vector<4096x128xi32>
      %lt3A_59 = arith.cmpi slt, %lt3A_58, %add3A_52 : vector<4096x128xi32>
      %convert_element_type3A_60 = arith.extui %lt3A_59 : vector<4096x128xi1> to vector<4096x128xi32>
      %add3A_61 = arith.addi %add3A_57, %convert_element_type3A_60 : vector<4096x128xi32>
      %eq3A_62 = arith.constant 1 : i32
      %eq3A_63 = vector.broadcast %eq3A_62 : i32 to vector<4096x128xi32>
      %eq3A_64 = arith.cmpi eq, %add3A_61, %eq3A_63 : vector<4096x128xi32>
      %get3A_65 = arith.constant 0 : index
      %get3A_66 = arith.constant 0 : index
      %get3A_67 = vector.load %arg4[%get3A_65, %get3A_66] : memref<1x128xf32, #tpu.memory_space<vmem>>, vector<1x128xf32>
      %slice3A_68 = vector.extract_strided_slice %get3A_4 {offsets = [0, 0], sizes = [4095, 128], strides = [1, 1]} : vector<4096x128xf32> to vector<4095x128xf32>
      %concatenate3A = tpu.concatenate %get3A_67, %slice3A_68 in 0 : vector<1x128xf32>, vector<4095x128xf32> -> vector<4096x128xf32>
      %roll3A = arith.constant 1 : i32
      %roll3A_69 = tpu.dynamic_rotate %get3A_4 by %roll3A dim 1 : vector<4096x128xf32>, i32 -> vector<4096x128xf32>
      %roll3A_70 = arith.constant 1 : i32
      %roll3A_71 = tpu.dynamic_rotate %concatenate3A by %roll3A_70 dim 1 : vector<4096x128xf32>, i32 -> vector<4096x128xf32>
      %iota3A_72 = tpu.iota {dimensions = array<i32: 1>} : vector<4096x128xi32>
      %lt3A_73 = arith.constant 1 : i32
      %lt3A_74 = vector.broadcast %lt3A_73 : i32 to vector<4096x128xi32>
      %lt3A_75 = arith.cmpi slt, %iota3A_72, %lt3A_74 : vector<4096x128xi32>
      %select_n3A = arith.select %lt3A_75, %roll3A_71, %roll3A_69 : vector<4096x128xi1>, vector<4096x128xf32>
      %select_n3A_76 = arith.select %eq3A_64, %select_n3A, %get3A_4 : vector<4096x128xi1>, vector<4096x128xf32>
      %eq3A_77 = arith.constant 2 : i32
      %eq3A_78 = vector.broadcast %eq3A_77 : i32 to vector<4096x128xi32>
      %eq3A_79 = arith.cmpi eq, %add3A_61, %eq3A_78 : vector<4096x128xi32>
      %get3A_80 = arith.constant 0 : index
      %get3A_81 = arith.constant 0 : index
      %get3A_82 = vector.load %arg4[%get3A_80, %get3A_81] : memref<1x128xf32, #tpu.memory_space<vmem>>, vector<1x128xf32>
      %slice3A_83 = vector.extract_strided_slice %get3A_4 {offsets = [0, 0], sizes = [4095, 128], strides = [1, 1]} : vector<4096x128xf32> to vector<4095x128xf32>
      %concatenate3A_84 = tpu.concatenate %get3A_82, %slice3A_83 in 0 : vector<1x128xf32>, vector<4095x128xf32> -> vector<4096x128xf32>
      %roll3A_85 = arith.constant 2 : i32
      %roll3A_86 = tpu.dynamic_rotate %get3A_4 by %roll3A_85 dim 1 : vector<4096x128xf32>, i32 -> vector<4096x128xf32>
      %roll3A_87 = arith.constant 2 : i32
      %roll3A_88 = tpu.dynamic_rotate %concatenate3A_84 by %roll3A_87 dim 1 : vector<4096x128xf32>, i32 -> vector<4096x128xf32>
      %iota3A_89 = tpu.iota {dimensions = array<i32: 1>} : vector<4096x128xi32>
      %lt3A_90 = arith.constant 2 : i32
      %lt3A_91 = vector.broadcast %lt3A_90 : i32 to vector<4096x128xi32>
      %lt3A_92 = arith.cmpi slt, %iota3A_89, %lt3A_91 : vector<4096x128xi32>
      %select_n3A_93 = arith.select %lt3A_92, %roll3A_88, %roll3A_86 : vector<4096x128xi1>, vector<4096x128xf32>
      %select_n3A_94 = arith.select %eq3A_79, %select_n3A_93, %select_n3A_76 : vector<4096x128xi1>, vector<4096x128xf32>
      %eq3A_95 = vector.broadcast %get3A_6 : i32 to vector<4096x128xi32>
      %eq3A_96 = arith.cmpi eq, %add3A_52, %eq3A_95 : vector<4096x128xi32>
      %broadcast_in_dim3A_97 = vector.broadcast %bitcast_convert_type3A : f32 to vector<4096x128xf32>
      %select_n3A_98 = arith.select %eq3A_96, %broadcast_in_dim3A_97, %select_n3A_94 : vector<4096x128xi1>, vector<4096x128xf32>
      %eq3A_99 = vector.broadcast %get3A_8 : i32 to vector<4096x128xi32>
      %eq3A_100 = arith.cmpi eq, %add3A_52, %eq3A_99 : vector<4096x128xi32>
      %broadcast_in_dim3A_101 = vector.broadcast %bitcast_convert_type3A_13 : f32 to vector<4096x128xf32>
      %select_n3A_102 = arith.select %eq3A_100, %broadcast_in_dim3A_101, %select_n3A_98 : vector<4096x128xi1>, vector<4096x128xf32>
      %swap3A_103 = arith.constant 0 : index
      %swap3A_104 = arith.constant 0 : index
      %swap3A_105 = vector.load %arg3[%swap3A_103, %swap3A_104] : memref<4096x128xf32, #tpu.memory_space<vmem>>, vector<4096x128xf32>
      tpu.vector_store %arg3[%swap3A_103, %swap3A_104], %select_n3A_102 {strides = array<i32>} : memref<4096x128xf32, #tpu.memory_space<vmem>>, vector<4096x128xf32>,
    } else {
    }
    %slice3A = vector.extract_strided_slice %get3A_4 {offsets = [4095, 0], sizes = [1, 128], strides = [1, 1]} : vector<4096x128xf32> to vector<1x128xf32>
    %swap3A = arith.constant 0 : index
    %swap3A_44 = arith.constant 0 : index
    %swap3A_45 = vector.load %arg4[%swap3A, %swap3A_44] : memref<1x128xf32, #tpu.memory_space<vmem>>, vector<1x128xf32>
    tpu.vector_store %arg4[%swap3A, %swap3A_44], %slice3A {strides = array<i32>} : memref<1x128xf32, #tpu.memory_space<vmem>>, vector<1x128xf32>,
    return
  }
  func.func @transform_0(%arg0: i32) -> i32 {
    %c0_i32 = arith.constant 0 : i32
    %c0_i32_0 = arith.constant 0 : i32
    return %c0_i32 : i32
  }
  func.func @transform_1(%arg0: i32) -> (i32, i32) {
    %c0_i32 = arith.constant 0 : i32
    %c0_i32_0 = arith.constant 0 : i32
    return %arg0, %c0_i32 : i32, i32
  }
  func.func @transform_2(%arg0: i32) -> (i32, i32) {
    %c0_i32 = arith.constant 0 : i32
    %c0_i32_0 = arith.constant 0 : i32
    return %arg0, %c0_i32 : i32, i32
  }
}

</mosaic_0001>

<sc_bundles>
// kernel: sparse-core-data-format-call.cloned.1.call-start
scs
called_computation_lowered:
.L_overlay_start_0:
0x0: {  	s2 =	sld [smem:$0x3FD9]  }
0x1: {  	s3 =	sld [smem:$0x3FFE];
	_ =	sdelay $0x1  }
0x2: {  	s1 =	srdreg.scid  }
0x3: {  	s0 =	sand.u32 $0x1, s1  }
0x4: {  	s18 =	sshll.u32 s0, $0xA;
	s2 =	sadd.s32 s3, s2  }
0x5: {  	s2 =	sadd.s32 s2, s18  }
0x6: {  	[smem:$0x3FC5] =	sst s2  }
0x7: {  	_ = 	snop  }
0x8: {  	s2 =	sld [smem:$0x3FD0];
	(tm) =	ssettm $0x1  }
0x9: {  	s19 =	sld [smem:$0x3FFB];
	_ =	sdelay $0x3  }
0xa: {  	_ =	strace s19  }
0xb: {  	s3 =	sld [smem:$0x3FFC];
	_ =	sdelay $0x3  }
0xc: {  	_ =	strace s3  }
0xd: {  	s3 =	sld [smem:$0x3FFD];
	_ =	sdelay $0x3  }
0xe: {  	_ =	strace s3  }
0xf: {  	_ =	strace $0x8FFFFFFF  }
0x10: {  	s20 =	sld [smem:$0x3FDB];
	_ =	sdelay $0x1  }
0x11: {  	s4 =	simm.s32 $_scs_section_size  }
0x12: {  	s5 =	simm.s32 $_size__tile_overlayer_lowered;
	s6 =	simm.s32 $_tile_overlayer_lowered  }
0x13: {  	s23 =	simm.s32 $0x1BFF;
	s22 =	sshll.u32 s6, $0x1;
	s3 =	sadd.s32 s4, s20  }
0x14: {  	s7 =	simm.s32 $0x0;
	s21 =	sshll.u32 s5, $0x1;
	s5 =	sadd.s32 s22, s3  }
0x15: {  	[timem:s7], [sflag:s23] =	dma.local [hbm:s5], s21  }
0x16: {  	_ =	swait.ge [sflag:s23], s21  }
0x17: {  	s4 =	ssub.s32 $0x0, s21;
	[sflag:s23] =	ssyncset.done $0x0  }
0x18: {  	[sflag:s23] =	ssyncadd.s32 s4;
	_ =	sdelay $0x1  }
0x19: {  	s24 =	simm.s32 $0x1B8B  }
0x1a: {  	_ =	swait.ge [sflag:s24], $0x1  }
0x1b: {  	[sflag:s24] =	ssyncset.done $0x0  }
0x1c: {  	s26 =	simm.s32 $0x1B8E;
	s25 =	sld [smem:$0x3FFE];
	[sflag:s24] =	ssyncadd.s32 $0xFFFFFFFF  }
0x1d: {  	s27 =	simm.s32 $execute0_lowered;
	[smem:$0x3FD2] =	sst s26  }
0x1e: {  	s5 =	sshll.u32 s27, $0x1;
	_ =	strace $0x80000046;
	[dreg:$0x1] =	wrdreg $0xFFFFFFFF  }
0x1f: {  	s28 =	simm.s32 $_size_execute0_lowered;
	s3 =	sadd.s32 s3, s5;
	[dreg:$0x0] =	wrdreg $0x0  }
0x20: {  	s5 =	sshll.u32 s28, $0x1;
	[dreg:$0x2] =	wrdreg s3  }
0x21: {  	[dreg:$0x3] =	wrdreg s5  }
0x22: {  	[dreg:$0x4] =	wrdreg $0xC0  }
0x23: {  	_ =	task [dreg:s7], $0x5FFFF  }
0x24: {  	[dreg:$0x1] =	wrdreg $0xFFFFFFFF  }
0x25: {  	[dreg:$0x0] =	wrdreg $0x60  }
0x26: {  	[dreg:$0x2] =	wrdreg s25  }
0x27: {  	[dreg:$0x3] =	wrdreg s2  }
0x28: {  	[dreg:$0x4] =	wrdreg $0x9  }
0x29: {  	_ =	task.clear_ibuf [dreg:s7], $0x5FFFF;
	_ =	strace $0x90000046  }
0x2a: {  	s29 =	simm.s32 $0x9;
	_ =	strace $0x80000048  }
0x2b: {  	_ =	swait.ge [sflag:s29], $0x1  }
0x2c: {  	[sflag:s29] =	ssyncadd.s32 $0xFFFFFFFF  }
0x2d: {  	_ =	strace $0x90000048  }
0x2e: {  	_ =	sfence  }
0x2f: {  	s30 =	sld [smem:$0x0];
	_ =	sdelay $0x2  }
0x30: {  	s31 =	sshll.u32 s1, $0xD;
	s1 =	sshrl.u32 s1, $0x2  }
0x31: {  	s3 =	sand.u32 $0x4000, s31;
	s1 =	sadd.s32 s1, s30  }
0x32: {  	s0 =	sor.u32 s3, s0;
	s1 =	sshll.u32 s1, $0x11  }
0x33: {  	s0 =	sor.u32 s1, s0  }
0x34: {  	s0 =	sadd.s32 $0x8F2B, s0  }
0x35: {  	[sflag:s0] =	ssyncadd.remote.s32 $0x1  }
0x36: {  	_ =	sfence.sel $0xFFFF  }
0x37: {  	[dreg:$0x0] =	wrdreg $0xFFFFFFFF;
	(pc) =	sbr.abs _section_cstart, $3  }
0x38: {  	[dreg:$0x1] =	wrdreg $0xFFFFFFFF  }
0x39: {  	_ =	task.clear_ibuf [dreg:s7], $0x2FFFF;
	_ =	strace $0x9FFFFFFF  }
0x3a: {  	(tm) =	ssettm $0x7FFFFFFF  }
0x3b: {  	_ =	shalt  }
tec
execute0_lowered:
.L_overlay_start_1:
0x0: {  	(tag) =	ssettag $0x1  }
0x1: {  	s0 =	srdreg.scid;
	s5 =	rddreg [dreg:$0x0]  }
0x2: {  	s2 =	rddreg [dreg:$0x1];
	s1 =	stileid.u32  }
0x3: {  	s4 =	simm.s32 $0x1;
	s6 =	simm.s32 $0x2;
	s0 =	sshll.u32 s0, $0x4  }
0x4: {  	s8 =	simm.s32 $0x0;
	s9 =	simm.s32 $0x0;
	s3 =	sand.u32 $0x10, s0  }
.Ltmp0:
0x5: {  	s13 =	simm.s32 $0x0;
	s3 =	sor.u32 s1, s3;
	(pc) =	sbr.rel .LBB1_1-.Ltmp0, $4  }
0x6: {  	s0 =	rddreg [dreg:$0x2];
	_ =	strace $0x80000047;
	s3 =	sshll.u32 s3, $0x7  }
0x7: {  	s10 =	simm.s32 $0x0;
	[sflag:s4] =	ssyncpa.u1 $0x0;
	s7 =	ssub.s32 $0x13100, s3  }
0x8: {  	s12 =	simm.s32 $0x0;
	[sflag:s6] =	ssyncpa.u1 $0x0;
	s6 =	sshrl.u32 s7, $0xC  }
0x9: {  	s5 =	sadd.s32 $0x131E00, s5;
	s11 =	smov.u32 s3;
	s7 =	sadd.s32 $0x2, s6  }
.LBB1_4:
0xa: {  	s17 =	smov.u32 s16  }
.LBB1_9:
0xb: {  	_ =	sdelay $0x2  }
0xc: {  	[tilespmem:s17+$0xFFFFFFD0] =	vst @p0 v1  }
0xd: {  	v56 =	vld.idx.msk [tilespmem:v0+s18+$0x70 ss:$0x1], $0xffff;
	[tilespmem:s17+$0xFFFFFFE0] =	vst @p0 v2  }
0xe: {  	v57 =	vld.idx.msk [tilespmem:v0+s18+$0x0 ss:$0x1], $0xffff;
	[tilespmem:s17+$0xFFFFFFF0] =	vst @p0 v3  }
0xf: {  	v58 =	vld.idx.msk [tilespmem:v0+s18+$0x10 ss:$0x1], $0xffff;
	[tilespmem:s17+$0x0] =	vst @p0 v4  }
0x10: {  	v59 =	vld.idx.msk [tilespmem:v0+s18+$0x20 ss:$0x1], $0xffff;
	s19 =	sadd.s32 @p0 $0x80, s17;
	[tilespmem:s17+$0x10] =	vst @p0 v5  }
0x11: {  	v60 =	vld.idx.msk [tilespmem:v0+s18+$0x30 ss:$0x1], $0xffff;
	s16 =	smov.u32 @p0 s19;
	[tilespmem:s17+$0x20] =	vst @p0 v6  }
0x12: {  	v61 =	vld.idx.msk [tilespmem:v0+s18+$0x40 ss:$0x1], $0xffff;
	[tilespmem:s16+$0x30] =	vst v56  }
0x13: {  	v62 =	vld.idx.msk [tilespmem:v0+s18+$0x50 ss:$0x1], $0xffff;
	[tilespmem:s16+$0xFFFFFFC0] =	vst v57  }
0x14: {  	v63 =	vld.idx.msk [tilespmem:v0+s18+$0x60 ss:$0x1], $0xffff;
	[tilespmem:s16+$0xFFFFFFD0] =	vst v58  }
0x15: {  	[tilespmem:s16+$0xFFFFFFE0] =	vst v59  }
0x16: {  	[tilespmem:s16+$0xFFFFFFF0] =	vst v60  }
0x17: {  	[tilespmem:s16+$0x0] =	vst v61  }
0x18: {  	[tilespmem:s16+$0x10] =	vst v62  }
0x19: {  	[tilespmem:s16+$0x20] =	vst v63  }
.LBB1_10:
0x1a: {  	p0 =	sgt.s32 s10, $0x130AD;
	s16 =	smov.u32 s10  }
0x1b: {  	s16 =	simm.s32 @!p0 $0x130AD  }
0x1c: {  	s14 =	sadd.s32 s14, s16  }
0x1d: {  	s14 =	sadd.s32 $0xFFFECF53, s14  }
0x1e: {  	s30 =	sshll.u32 s14, $0x7  }
0x1f: {  	s16 =	ssub.s32 $0x4000, s30  }
0x20: {  	s31 =	sshll.u32 s10, $0x4;
	p0 =	sgt.s32 s14, $0x7F;
	s14 =	sand.u32 $0x3FFFFF80, s16  }
0x21: {  	s15 =	sor.u32 $0x8000, s15;
	s16 =	sadd.s32 s2, s31;
	s14 =	simm.s32 @p0 $0x0  }
0x22: {  	[hbm4b:s16+s8] =	stream.linear.scatter [tilespmem:s15], [sflag:$0x2], s14, $0x38;
	[tilespmem:$0x10000] =	vst v63  }
.LBB1_11:
0x23: {  	p0 =	slt.u32 s12, $0x2  }
0x24: {  	p1 =	sgt.s32 @!p0 s13, $0x130AD  }
0x25: {  	s14 =	smov.u32 s13;
	s15 =	sshra.s32 @!p0 s13, $0x1F;
	p1 =	por !p1, p0  }
0x26: {  	s13 =	sand.u32 @!p0 s15, s13;
	s14 =	simm.s32 @p1 $0x130AD  }
0x27: {  	s13 =	ssub.s32 @!p0 s14, s13  }
0x28: {  	s13 =	sadd.s32 @!p0 $0xFFFECF53, s13  }
0x29: {  	s14 =	sshll.u32 @!p0 s13, $0x7  }
0x2a: {  	p1 =	sgt.s32 @!p0 s13, $0x7F;
	s13 =	ssub.s32 @!p0 $0x4000, s14  }
0x2b: {  	s15 =	sadd.s32 $0x1000, s11;
	p1 =	por !p1, p0;
	s13 =	sand.u32 @!p0 $0x3FFFFF80, s13  }
0x2c: {  	s13 =	simm.s32 @!p1 $0x0;
	p1 =	sgt.s32 s15, $0x1312C  }
0x2d: {  	s15 =	smov.u32 @p1 s3;
	p1 =	sne.s32 s12, s7  }
.Ltmp1:
0x2e: {  	_ = 	snop;
	(pc) =	sbr.rel @!p1 .LBB1_12-.Ltmp1, $4  }
0x2f: {  	s14 =	simm.s32 @!p0 $0x2  }
0x30: {  	s9 =	sadd.s32 $0x4000, s9;
	_ =	swait.ge @!p0 [sflag:s14], s13;
	s16 =	ssub.s32 @!p0 $0x0, s13  }
0x31: {  	s13 =	smov.u32 s10;
	s12 =	sadd.s32 $0x1, s12;
	[sflag:s14] =	ssyncset.done @!p0 $0x0  }
0x32: {  	s10 =	smov.u32 s11;
	s11 =	smov.u32 s15;
	[sflag:s14] =	ssyncadd.s32 @!p0 s16  }
.LBB1_1:
0x33: {  	p0 =	sgt.u32 s12, s6  }
0x34: {  	s14 =	sand.u32 @!p0 $0x1FFFFFF, s11  }
0x35: {  	p1 =	sgt.s32 @!p0 s11, $0x130B0;
	s15 =	smulhi.u32 @!p0 $0x1AD7AF1, s14  }
0x36: {  	s16 =	smov.u32 s11;
	s17 =	sshra.s32 @!p0 s11, $0x1F;
	p1 =	por !p1, p0  }
0x37: {  	s17 =	sand.u32 @!p0 s17, s11;
	s16 =	simm.s32 @p1 $0x130B0;
	s15 =	sshrl.u32 @!p0 s15, $0x9  }
0x38: {  	s16 =	ssub.s32 @!p0 s16, s17;
	s15 =	smul.u32 @!p0 $0x13130, s15  }
0x39: {  	s17 =	sxor.u32 @!p0 $0xFFFFFFFF, s12;
	s16 =	sadd.s32 @!p0 $0xFFFECF50, s16  }
0x3a: {  	s17 =	sshll.u32 @!p0 s17, $0xE;
	s14 =	ssub.s32 @!p0 s14, s15;
	s15 =	sshll.u32 @!p0 s16, $0x7  }
0x3b: {  	s17 =	sand.u32 @!p0 $0x4000, s17;
	p1 =	sgt.s32 @!p0 s16, $0x7F;
	s15 =	ssub.s32 @!p0 $0x4000, s15  }
0x3c: {  	p1 =	por !p1, p0;
	s14 =	sshll.u32 @!p0 s14, $0x4;
	s15 =	sand.u32 @!p0 $0x3FFFFF80, s15  }
0x3d: {  	s16 =	simm.s32 @!p0 $0x0;
	s14 =	sadd.s32 @!p0 s5, s14;
	s15 =	simm.s32 @!p1 $0x0  }
0x3e: {  	[tilespmem:s17], [sflag:$0x1] =	stream.linear.gather @!p0 [hbm4b:s14+s16], s15, $0x38;
	[tilespmem:$0x10000] =	vst v63  }
0x3f: {  	p0 =	seq.s32 s12, $0x0  }
0x40: {  	p1 =	sge.u32 @!p0 s12, s7  }
0x41: {  	p0 =	por p0, p1  }
.Ltmp2:
0x42: {  	_ = 	snop;
	(pc) =	sbr.rel @p0 .LBB1_11-.Ltmp2, $1  }
0x43: {  	_ =	sdelay $0x3  }
0x44: {  	s14 =	ssub.s32 $0x0, s10  }
0x45: {  	s15 =	sshra.s32 s10, $0x1F;
	p0 =	sgt.s32 s10, $0x130B0;
	s16 =	smov.u32 s10  }
0x46: {  	s14 =	sand.u32 s14, s15;
	s16 =	simm.s32 @!p0 $0x130B0  }
0x47: {  	s15 =	sadd.s32 s14, s16  }
0x48: {  	s17 =	sadd.s32 $0x80, s10;
	s15 =	sadd.s32 $0xFFFECF50, s15  }
0x49: {  	p1 =	slt.s32 s17, $0x1312D;
	s29 =	sshll.u32 s15, $0x7  }
0x4a: {  	s17 =	simm.s32 @!p1 $0x1312D;
	s16 =	ssub.s32 $0x4000, s29  }
0x4b: {  	s17 =	ssub.s32 s17, s10;
	p0 =	sgt.s32 s15, $0x7F;
	s15 =	sand.u32 $0x3FFFFF80, s16  }
0x4c: {  	s15 =	simm.s32 @p0 $0x0;
	p0 =	slt.s32 s17, $0x1  }
.Ltmp3:
0x4d: {  	_ = 	snop;
	(pc) =	sbr.rel @p0 .LBB1_10-.Ltmp3, $4  }
0x4e: {  	_ = 	snop  }
0x4f: {  	_ =	swait.ge [sflag:s4], s15  }
0x50: {  	s31 =	sshll.u32 s12, $0xE;
	s30 =	ssub.s32 $0x0, s15;
	[sflag:s4] =	ssyncset.done $0x0  }
0x51: {  	s15 =	sand.u32 $0x4000, s31;
	[sflag:s4] =	ssyncadd.s32 s30  }
0x52: {  	p1 =	sne.s32 s17, $0x1  }
.Ltmp4:
0x53: {  	v0 =	vmov s15;
	(pc) =	sbr.rel @!p1 .LBB1_4-.Ltmp4, $3  }
0x54: {  	_ =	sdelay $0x1  }
0x55: {  	s16 =	sand.u32 $0x4000, s9;
	s18 =	simm.s32 $0x0;
	s17 =	sadd.s32 $0xFFFFFFFF, s17  }
0x56: {  	p0 =	por $0x0, $0x0;
	s16 =	sor.u32 $0x8040, s16;
	s18 =	sand.u32 $0x3F80, s18  }
0x57: {  	_ =	sdelay $0x3  }
0x58: {  	v6 =	vld.idx.msk [tilespmem:v0+s18+$0x70 ss:$0x1], $0xffff  }
0x59: {  	v7 =	vld.idx.msk [tilespmem:v0+s18+$0x0 ss:$0x1], $0xffff  }
0x5a: {  	v1 =	vld.idx.msk [tilespmem:v0+s18+$0x10 ss:$0x1], $0xffff;
	p1 =	sne.s32 s17, $0x1  }
.Ltmp5:
0x5b: {  	v2 =	vld.idx.msk [tilespmem:v0+s18+$0x20 ss:$0x1], $0xffff;
	(pc) =	sbr.rel @!p1 .LBB1_6-.Ltmp5, $4  }
0x5c: {  	v3 =	vld.idx.msk [tilespmem:v0+s18+$0x30 ss:$0x1], $0xffff  }
0x5d: {  	v4 =	vld.idx.msk [tilespmem:v0+s18+$0x40 ss:$0x1], $0xffff  }
0x5e: {  	v5 =	vld.idx.msk [tilespmem:v0+s18+$0x50 ss:$0x1], $0xffff;
	s20 =	simm.s32 $0x80;
	s21 =	sadd.s32 $0xFFFFFFFF, s17;
	[tilespmem:s16+$0x30] =	vst v6  }
0x5f: {  	p0 =	por $0x1, $0x1;
	s17 =	smov.u32 s16;
	s19 =	sand.u32 $0x3F80, s20;
	[tilespmem:s16+$0xFFFFFFC0] =	vst v7;
	v6 =	vld.idx.msk [tilespmem:v0+s18+$0x60 ss:$0x1], $0xffff  }
.LBB1_7:
0x60: {  	p1 =	sne.s32 s21, $0x1;
	v7 =	vld.idx.msk [tilespmem:v0+s19+$0x70 ss:$0x1], $0xffff;
	[tilespmem:s17+$0xFFFFFFD0] =	vst v1  }
0x61: {  	v8 =	vld.idx.msk [tilespmem:v0+s19+$0x0 ss:$0x1], $0xffff;
	[tilespmem:s17+$0xFFFFFFE0] =	vst v2  }
0x62: {  	v1 =	vld.idx.msk [tilespmem:v0+s19+$0x10 ss:$0x1], $0xffff;
	[tilespmem:s17+$0xFFFFFFF0] =	vst v3  }
.Ltmp6:
0x63: {  	v2 =	vld.idx.msk [tilespmem:v0+s19+$0x20 ss:$0x1], $0xffff;
	[tilespmem:s17+$0x0] =	vst v4;
	(pc) =	sbr.rel @p1 .LBB1_7-.Ltmp6, $4  }
0x64: {  	v3 =	vld.idx.msk [tilespmem:v0+s19+$0x30 ss:$0x1], $0xffff;
	[tilespmem:s17+$0x10] =	vst v5  }
0x65: {  	v4 =	vld.idx.msk [tilespmem:v0+s19+$0x40 ss:$0x1], $0xffff;
	[tilespmem:s17+$0x20] =	vst v6;
	s17 =	sadd.s32 $0x80, s17  }
0x66: {  	s20 =	sadd.s32 $0x80, s20;
	v5 =	vld.idx.msk [tilespmem:v0+s19+$0x50 ss:$0x1], $0xffff;
	[tilespmem:s17+$0x30] =	vst v7  }
0x67: {  	s21 =	sadd.s32 $0xFFFFFFFF, s21;
	[tilespmem:s17+$0xFFFFFFC0] =	vst v8;
	v6 =	vld.idx.msk [tilespmem:v0+s19+$0x60 ss:$0x1], $0xffff;
	s19 =	sand.u32 $0x3F80, s20  }
.Ltmp7:
0x68: {  	(pc) =	sbr.rel .LBB1_9-.Ltmp7, $2  }
0x69: {  	_ =	sdelay $0x2  }
0x6a: {  	s18 =	smov.u32 s19  }
.LBB1_6:
.Ltmp8:
0x6b: {  	(pc) =	sbr.rel .LBB1_9-.Ltmp8, $2  }
0x6c: {  	_ =	sdelay $0x2  }
0x6d: {  	s18 =	smov.u32 s19;
	s17 =	smov.u32 s16  }
.LBB1_12:
0x6e: {  	_ =	sfence.sel $0x180000  }
0x6f: {  	s2 =	simm.s32 $0x1;
	[bflag:$0x0] =	sbarrier.arrive $0xFFFF  }
0x70: {  	s31 =	simm.s32 $0x2;
	[sflag:s2] =	ssyncpa.u1 $0x1  }
0x71: {  	[sflag:s31] =	ssyncpa.u1 $0x1  }
0x72: {  	p0 =	sne.s32 s1, $0x0;
	_ =	strace $0x90000047  }
0x73: {  	s0 =	sadd.s32 @!p0 $0x100000, s0;
	[bflag:$0x2] =	sbarrier.arrive $0xFFFF  }
0x74: {  	[sflag:s0] =	ssyncadd.tile.s32 @!p0 $0x1;
	_ =	shalt  }
.Lfunc_end1:
_tile_overlayer_lowered:
.L_overlay_start_2:
0x75: {  	(tag) =	ssettag $0x2  }
0x76: {  	s0 =	rddreg [dreg:$0x0];
	s2 =	stileid.u32  }
0x77: {  	s1 =	rddreg [dreg:$0x1];
	p0 =	sne.s32 s2, $0x0  }
0x78: {  	s3 =	rddreg [dreg:$0x2];
	[bflag:$0x3] =	sbarrier.arrive $0xFFFF;
	s2 =	simm.s32 @!p0 $0x1C01  }
0x79: {  	[timem:s3], [sflag:s2] =	dma.local @!p0 [hbm:s0], s1  }
0x7a: {  	s0 =	simm.s32 @!p0 $0x1  }
0x7b: {  	_ =	swait.ge @!p0 [sflag:s0], s1  }
0x7c: {  	s1 =	ssub.s32 @!p0 $0x0, s1;
	[sflag:s0] =	ssyncset.done @!p0 $0x0  }
0x7d: {  	[sflag:s0] =	ssyncadd.s32 @!p0 s1  }
0x7e: {  	[bflag:$0x3] =	sbarrier.arrive $0xFFFF  }
0x7f: {  	_ =	shalt  }

</sc_bundles>
